<compile_context>
chip_gen: v7x
topology: tpu7x:2x2x1
jax: 0.10.2.dev20260603
libtpu: 0.0.44.dev20260713+nightly
codegen_flags: <defaults>
</compile_context>

<pallas_src>
import functools

import jax
import jax.numpy as jnp
from jax import lax
from jax.experimental import pallas as pl
from jax.experimental.pallas import tpu as pltpu
from jax.experimental.pallas import tpu_sc as plsc


def _make_sc_gather(V, E, B):
    info = plsc.get_sparse_core_info()
    NC, NS = info.num_cores, info.num_subcores
    NW = NC * NS
    G = 128
    C = 1024
    assert B % (NW * C) == 0
    b_per_w = B // NW
    n_chunks = b_per_w // C
    mesh = plsc.VectorSubcoreMesh(core_axis_name="c", subcore_axis_name="s")

    @functools.partial(
        pl.kernel,
        mesh=mesh,
        compiler_params=pltpu.CompilerParams(use_tc_tiling_on_sc=False),
        out_type=jax.ShapeDtypeStruct((B, E), jnp.float32),
        scratch_types=[
            pltpu.VMEM((C,), jnp.int32),
            pltpu.VMEM((C, E), jnp.float32),
            pltpu.VMEM_SHARED((V, E), jnp.float32),
            pltpu.SemaphoreType.DMA,
        ],
    )
    def sc_gather(table_hbm, idx_hbm, out_hbm, idx_v, rows_v, table_sh, sem):
        sid = lax.axis_index("s")
        wid = sid * NC + lax.axis_index("c")
        base = wid * b_per_w

        @pl.when(sid == 0)
        def _stage():
            pltpu.sync_copy(table_hbm, table_sh)

        plsc.subcore_barrier()

        def chunk(c, carry):
            tok0 = base + c * C
            pltpu.sync_copy(idx_hbm.at[pl.ds(tok0, C)], idx_v)
            copies = []
            for j in range(C // G):
                copies.append(pltpu.async_copy(
                    table_sh.at[idx_v.at[pl.ds(j * G, G)]],
                    rows_v.at[pl.ds(j * G, G)],
                    sem,
                ))
            for cp in copies:
                cp.wait()
            pltpu.sync_copy(rows_v, out_hbm.at[pl.ds(tok0, C)])
            return carry

        lax.fori_loop(0, n_chunks, chunk, 0)

    return sc_gather


def _tc_body(x_ref, sec_ref, wt_ref, posb_ref, out_ref):
    acc0 = jnp.dot(wt_ref[...], x_ref[0], preferred_element_type=jnp.float32)
    acc1 = jnp.dot(wt_ref[...], x_ref[1], preferred_element_type=jnp.float32)
    sec_t = jnp.transpose(sec_ref[...])
    out_ref[0] = acc0 + sec_t[0:64, :] + posb_ref[0]
    out_ref[1] = acc1 + sec_t[64:128, :] + posb_ref[1]


def _tc_dense(xt, sec128, wt, posb3, BN):
    P, D, N = xt.shape
    E = wt.shape[0]
    nb = N // BN
    return pl.pallas_call(
        _tc_body,
        grid=(P // 2, nb),
        in_specs=[
            pl.BlockSpec((2, D, BN), lambda q, j: (q, 0, j)),
            pl.BlockSpec((BN, 128), lambda q, j: (q * nb + j, 0)),
            pl.BlockSpec((E, D), lambda q, j: (0, 0)),
            pl.BlockSpec((2, E, 1), lambda q, j: (q, 0, 0)),
        ],
        out_specs=pl.BlockSpec((2, E, BN), lambda q, j: (q, 0, j)),
        out_shape=jax.ShapeDtypeStruct((P, E, N), jnp.float32),
    )(xt, sec128, wt, posb3)


def kernel(x, pos_table, sec_table, W, b):
    N, P, D = x.shape
    V, E = sec_table.shape
    B = N * P

    xt = jnp.transpose(x, (1, 2, 0))
    idx_t = xt[:, 0, :].astype(jnp.int32)
    idx_sc = jnp.transpose(idx_t.reshape(P // 2, 2, N), (0, 2, 1)).reshape(B)

    positions = jnp.take(pos_table, jnp.arange(D - 1, -1, -1), axis=0)
    posb3 = (positions + b[None, :]).reshape(D, E, 1)
    wt = jnp.concatenate([jnp.zeros((1, E), W.dtype), W], axis=0).T

    sec = _make_sc_gather(V, E, B)(sec_table, idx_sc)
    sec128 = sec.reshape(B // 2, 2 * E)
    out_t = _tc_dense(xt, sec128, wt, posb3, 2048)
    return jnp.transpose(out_t, (2, 0, 1))

# --- scband reference (transcript-rebuilt; emitter-appended) ---
"""Pipeline reference for scband-input-embedding-50964081934414 (READ-ONLY COPY).

The authoritative reference and input builder live on the scoring server;
editing this copy changes nothing except your own understanding.
"""

import jax, jax.numpy as jnp
import numpy as np

MAXLEN = 50
N_SECTOR = 1000
EMBED = 64
N_STOCK = 16384
PERIOD = 50
DIM = 50


def setup_inputs(seed: int = 0) -> dict:
    key = jax.random.key(seed)
    k1, k2, k3, k4, k5 = jax.random.split(key, 5)
    # channel 0 holds sector ids (stored as floats, as in the original keras module)
    sec = jax.random.randint(k1, (N_STOCK, PERIOD, 1), 0, N_SECTOR).astype(jnp.float32)
    feats = jax.random.normal(k2, (N_STOCK, PERIOD, DIM - 1), dtype=jnp.float32)
    x = jnp.concatenate([sec, feats], axis=-1)
    pos_table = jax.random.normal(k3, (MAXLEN, EMBED), dtype=jnp.float32) * 0.02
    sec_table = jax.random.normal(k4, (N_SECTOR, EMBED), dtype=jnp.float32) * 0.02
    W = jax.random.normal(k5, (DIM - 1, EMBED), dtype=jnp.float32) * 0.02
    b = jnp.zeros((EMBED,), dtype=jnp.float32)
    return {"x": x, "pos_table": pos_table, "sec_table": sec_table, "W": W, "b": b}


def reference(x, pos_table, sec_table, W, b):
    # PositionalEmbedding: uses the LAST axis size of x as the position count,
    # with reversed positions arange(dim-1, -1, -1), faithful to the original.
    dim = x.shape[-1]
    pos_idx = jnp.arange(dim - 1, -1, -1)
    positions = jnp.take(pos_table, pos_idx, axis=0)  # (dim, E)
    # SectorEmbedding: embedding lookup on channel 0 (float ids cast to int)
    sec_idx = x[:, :, 0].astype(jnp.int32)
    sectors = jnp.take(sec_table, sec_idx, axis=0)  # (N, P, E)
    # StockEmbedding: Dense on remaining channels
    stocks = x[:, :, 1:] @ W + b  # (N, P, E)
    return positions + sectors + stocks

if __name__ == "__main__":
    import jax
    _d = setup_inputs()
    print(jax.jit(kernel)(*tuple(_d.values())))

</pallas_src>

<mosaic_0001>
#map = affine_map<(d0, d1) -> (0, 0)>
#map1 = affine_map<(d0, d1) -> (0)>
module attributes {stable_mosaic.version = 14 : i64} {
  func.func @sc_gather(%arg0: i32, %arg1: i32, %arg2: memref<1000x64xf32, #tpu.memory_space<hbm>>, %arg3: memref<819200xi32, #tpu.memory_space<hbm>>, %arg4: memref<819200x64xf32, #tpu.memory_space<hbm>>, %arg5: memref<1024xi32, #tpu.memory_space<vmem>>, %arg6: memref<1024x64xf32, #tpu.memory_space<vmem>>, %arg7: memref<1000x64xf32, #tpu.memory_space<vmem_shared>>, %arg8: memref<!tpu.dma_semaphore, #tpu.memory_space<semaphore_mem>>) attributes {dimension_semantics = [#tpu.dimension_semantics<core_parallel>, #tpu.dimension_semantics<subcore_parallel>], iteration_bounds = array<i64: 2, 16>, scalar_prefetch = 0 : i64, scratch_operands = 4 : i64, tpu.core_type = #tpu.core_type<sc_vector_subcore>, window_params = [{transform_indices = #map}, {transform_indices = #map1}, {transform_indices = #map}]} {
    %mul3A = arith.constant 2 : i32
    %mul3A_0 = arith.muli %arg1, %mul3A : i32
    %add3A = arith.addi %mul3A_0, %arg0 : i32
    %mul3A_1 = arith.constant 25600 : i32
    %mul3A_2 = arith.muli %add3A, %mul3A_1 : i32
    %eq3A = arith.constant 0 : i32
    %eq3A_3 = arith.cmpi eq, %arg1, %eq3A : i32
    %convert_element_type3A = arith.extui %eq3A_3 : i1 to i32
    %cond3A = arith.constant 0 : i32
    %cond3A_4 = arith.cmpi ne, %convert_element_type3A, %cond3A : i32
    scf.if %cond3A_4 {
      "tpu.region"() ({
        %run_scoped3A = tpu.sem_alloc : memref<!tpu.dma_semaphore, #tpu.memory_space<semaphore_mem>>
        tpu.enqueue_dma source(%arg2 : memref<1000x64xf32, #tpu.memory_space<hbm>>) target(%arg7 : memref<1000x64xf32, #tpu.memory_space<vmem_shared>>) target_semaphore(%run_scoped3A : memref<!tpu.dma_semaphore, #tpu.memory_space<semaphore_mem>>)
        tpu.wait_dma2 semaphore(%run_scoped3A : memref<!tpu.dma_semaphore, #tpu.memory_space<semaphore_mem>>) src(%arg2 : memref<1000x64xf32, #tpu.memory_space<hbm>>) dst(%arg7 : memref<1000x64xf32, #tpu.memory_space<vmem_shared>>)
        tpu.yield
      }) : () -> ()
    } else {
    }
    %barrier3A = arith.constant 0 : index
    tpu.barrier barrier_id(%barrier3A)
    %scan3A = arith.constant 0 : i32
    %scan3A_5 = arith.constant 0 : i32
    %scan3A_6 = arith.constant 25 : i32
    %scan3A_7 = arith.addi %scan3A_5, %scan3A_6 : i32
    %scan3A_8 = arith.constant 1 : i32
    scf.for %scan3A_10 = %scan3A_5 to %scan3A_7 step %scan3A_8  : i32 {
      %mul3A_11 = arith.constant 1024 : i32
      %mul3A_12 = arith.muli %scan3A_10, %mul3A_11 : i32
      %add3A_13 = arith.addi %mul3A_2, %mul3A_12 : i32
      "tpu.region"() ({
        %run_scoped3A = tpu.sem_alloc : memref<!tpu.dma_semaphore, #tpu.memory_space<semaphore_mem>>
        %dma_start3A_140 = tpu.memref_slice %arg3[%add3A_13] : memref<819200xi32, #tpu.memory_space<hbm>> -> memref<1024xi32, #tpu.memory_space<hbm>>
        %dma_start3A_141 = tpu.memref_slice %arg3[%add3A_13] : memref<819200xi32, #tpu.memory_space<hbm>> -> memref<1024xi32, #tpu.memory_space<hbm>>
        tpu.enqueue_dma source(%dma_start3A_141 : memref<1024xi32, #tpu.memory_space<hbm>>) target(%arg5 : memref<1024xi32, #tpu.memory_space<vmem>>) target_semaphore(%run_scoped3A : memref<!tpu.dma_semaphore, #tpu.memory_space<semaphore_mem>>)
        %dma_wait3A_142 = tpu.memref_slice %arg3[%add3A_13] : memref<819200xi32, #tpu.memory_space<hbm>> -> memref<1024xi32, #tpu.memory_space<hbm>>
        %dma_wait3A_143 = tpu.memref_slice %arg3[%add3A_13] : memref<819200xi32, #tpu.memory_space<hbm>> -> memref<1024xi32, #tpu.memory_space<hbm>>
        tpu.wait_dma2 semaphore(%run_scoped3A : memref<!tpu.dma_semaphore, #tpu.memory_space<semaphore_mem>>) src(%dma_wait3A_143 : memref<1024xi32, #tpu.memory_space<hbm>>) dst(%arg5 : memref<1024xi32, #tpu.memory_space<vmem>>)
        tpu.yield
      }) : () -> ()
      %dma_start3A = arith.constant 0 : i32
      %dma_start3A_14 = arith.constant 0 : i32
      %dma_start3A_15 = tpu.memref_slice %arg6[%dma_start3A, %dma_start3A_14] : memref<1024x64xf32, #tpu.memory_space<vmem>> -> memref<128x64xf32, #tpu.memory_space<vmem>>
      %dma_start3A_16 = arith.constant 0 : i32
      %dma_start3A_17 = tpu.memref_slice %arg5[%dma_start3A_16] : memref<1024xi32, #tpu.memory_space<vmem>> -> memref<128xi32, #tpu.memory_space<vmem>>
      %dma_start3A_18 = arith.constant 0 : i32
      %dma_start3A_19 = arith.constant 0 : i32
      %dma_start3A_20 = tpu.memref_slice %arg7[%dma_start3A_18, %dma_start3A_19] : memref<1000x64xf32, #tpu.memory_space<vmem_shared>> -> memref<1000x64xf32, #tpu.memory_space<vmem_shared>>
      tpu.enqueue_indirect_dma source(%dma_start3A_20 : memref<1000x64xf32, #tpu.memory_space<vmem_shared>>) target(%dma_start3A_15 : memref<128x64xf32, #tpu.memory_space<vmem>>) offsets(%dma_start3A_17 : memref<128xi32, #tpu.memory_space<vmem>>) semaphore(%arg8 : memref<!tpu.dma_semaphore, #tpu.memory_space<semaphore_mem>>)
      %dma_start3A_21 = arith.constant 128 : i32
      %dma_start3A_22 = arith.constant 0 : i32
      %dma_start3A_23 = tpu.memref_slice %arg6[%dma_start3A_21, %dma_start3A_22] : memref<1024x64xf32, #tpu.memory_space<vmem>> -> memref<128x64xf32, #tpu.memory_space<vmem>>
      %dma_start3A_24 = arith.constant 128 : i32
      %dma_start3A_25 = tpu.memref_slice %arg5[%dma_start3A_24] : memref<1024xi32, #tpu.memory_space<vmem>> -> memref<128xi32, #tpu.memory_space<vmem>>
      %dma_start3A_26 = arith.constant 0 : i32
      %dma_start3A_27 = arith.constant 0 : i32
      %dma_start3A_28 = tpu.memref_slice %arg7[%dma_start3A_26, %dma_start3A_27] : memref<1000x64xf32, #tpu.memory_space<vmem_shared>> -> memref<1000x64xf32, #tpu.memory_space<vmem_shared>>
      tpu.enqueue_indirect_dma source(%dma_start3A_28 : memref<1000x64xf32, #tpu.memory_space<vmem_shared>>) target(%dma_start3A_23 : memref<128x64xf32, #tpu.memory_space<vmem>>) offsets(%dma_start3A_25 : memref<128xi32, #tpu.memory_space<vmem>>) semaphore(%arg8 : memref<!tpu.dma_semaphore, #tpu.memory_space<semaphore_mem>>)
      %dma_start3A_29 = arith.constant 256 : i32
      %dma_start3A_30 = arith.constant 0 : i32
      %dma_start3A_31 = tpu.memref_slice %arg6[%dma_start3A_29, %dma_start3A_30] : memref<1024x64xf32, #tpu.memory_space<vmem>> -> memref<128x64xf32, #tpu.memory_space<vmem>>
      %dma_start3A_32 = arith.constant 256 : i32
      %dma_start3A_33 = tpu.memref_slice %arg5[%dma_start3A_32] : memref<1024xi32, #tpu.memory_space<vmem>> -> memref<128xi32, #tpu.memory_space<vmem>>
      %dma_start3A_34 = arith.constant 0 : i32
      %dma_start3A_35 = arith.constant 0 : i32
      %dma_start3A_36 = tpu.memref_slice %arg7[%dma_start3A_34, %dma_start3A_35] : memref<1000x64xf32, #tpu.memory_space<vmem_shared>> -> memref<1000x64xf32, #tpu.memory_space<vmem_shared>>
      tpu.enqueue_indirect_dma source(%dma_start3A_36 : memref<1000x64xf32, #tpu.memory_space<vmem_shared>>) target(%dma_start3A_31 : memref<128x64xf32, #tpu.memory_space<vmem>>) offsets(%dma_start3A_33 : memref<128xi32, #tpu.memory_space<vmem>>) semaphore(%arg8 : memref<!tpu.dma_semaphore, #tpu.memory_space<semaphore_mem>>)
      %dma_start3A_37 = arith.constant 384 : i32
      %dma_start3A_38 = arith.constant 0 : i32
      %dma_start3A_39 = tpu.memref_slice %arg6[%dma_start3A_37, %dma_start3A_38] : memref<1024x64xf32, #tpu.memory_space<vmem>> -> memref<128x64xf32, #tpu.memory_space<vmem>>
      %dma_start3A_40 = arith.constant 384 : i32
      %dma_start3A_41 = tpu.memref_slice %arg5[%dma_start3A_40] : memref<1024xi32, #tpu.memory_space<vmem>> -> memref<128xi32, #tpu.memory_space<vmem>>
      %dma_start3A_42 = arith.constant 0 : i32
      %dma_start3A_43 = arith.constant 0 : i32
      %dma_start3A_44 = tpu.memref_slice %arg7[%dma_start3A_42, %dma_start3A_43] : memref<1000x64xf32, #tpu.memory_space<vmem_shared>> -> memref<1000x64xf32, #tpu.memory_space<vmem_shared>>
      tpu.enqueue_indirect_dma source(%dma_start3A_44 : memref<1000x64xf32, #tpu.memory_space<vmem_shared>>) target(%dma_start3A_39 : memref<128x64xf32, #tpu.memory_space<vmem>>) offsets(%dma_start3A_41 : memref<128xi32, #tpu.memory_space<vmem>>) semaphore(%arg8 : memref<!tpu.dma_semaphore, #tpu.memory_space<semaphore_mem>>)
      %dma_start3A_45 = arith.constant 512 : i32
      %dma_start3A_46 = arith.constant 0 : i32
      %dma_start3A_47 = tpu.memref_slice %arg6[%dma_start3A_45, %dma_start3A_46] : memref<1024x64xf32, #tpu.memory_space<vmem>> -> memref<128x64xf32, #tpu.memory_space<vmem>>
      %dma_start3A_48 = arith.constant 512 : i32
      %dma_start3A_49 = tpu.memref_slice %arg5[%dma_start3A_48] : memref<1024xi32, #tpu.memory_space<vmem>> -> memref<128xi32, #tpu.memory_space<vmem>>
      %dma_start3A_50 = arith.constant 0 : i32
      %dma_start3A_51 = arith.constant 0 : i32
      %dma_start3A_52 = tpu.memref_slice %arg7[%dma_start3A_50, %dma_start3A_51] : memref<1000x64xf32, #tpu.memory_space<vmem_shared>> -> memref<1000x64xf32, #tpu.memory_space<vmem_shared>>
      tpu.enqueue_indirect_dma source(%dma_start3A_52 : memref<1000x64xf32, #tpu.memory_space<vmem_shared>>) target(%dma_start3A_47 : memref<128x64xf32, #tpu.memory_space<vmem>>) offsets(%dma_start3A_49 : memref<128xi32, #tpu.memory_space<vmem>>) semaphore(%arg8 : memref<!tpu.dma_semaphore, #tpu.memory_space<semaphore_mem>>)
      %dma_start3A_53 = arith.constant 640 : i32
      %dma_start3A_54 = arith.constant 0 : i32
      %dma_start3A_55 = tpu.memref_slice %arg6[%dma_start3A_53, %dma_start3A_54] : memref<1024x64xf32, #tpu.memory_space<vmem>> -> memref<128x64xf32, #tpu.memory_space<vmem>>
      %dma_start3A_56 = arith.constant 640 : i32
      %dma_start3A_57 = tpu.memref_slice %arg5[%dma_start3A_56] : memref<1024xi32, #tpu.memory_space<vmem>> -> memref<128xi32, #tpu.memory_space<vmem>>
      %dma_start3A_58 = arith.constant 0 : i32
      %dma_start3A_59 = arith.constant 0 : i32
      %dma_start3A_60 = tpu.memref_slice %arg7[%dma_start3A_58, %dma_start3A_59] : memref<1000x64xf32, #tpu.memory_space<vmem_shared>> -> memref<1000x64xf32, #tpu.memory_space<vmem_shared>>
      tpu.enqueue_indirect_dma source(%dma_start3A_60 : memref<1000x64xf32, #tpu.memory_space<vmem_shared>>) target(%dma_start3A_55 : memref<128x64xf32, #tpu.memory_space<vmem>>) offsets(%dma_start3A_57 : memref<128xi32, #tpu.memory_space<vmem>>) semaphore(%arg8 : memref<!tpu.dma_semaphore, #tpu.memory_space<semaphore_mem>>)
      %dma_start3A_61 = arith.constant 768 : i32
      %dma_start3A_62 = arith.constant 0 : i32
      %dma_start3A_63 = tpu.memref_slice %arg6[%dma_start3A_61, %dma_start3A_62] : memref<1024x64xf32, #tpu.memory_space<vmem>> -> memref<128x64xf32, #tpu.memory_space<vmem>>
      %dma_start3A_64 = arith.constant 768 : i32
      %dma_start3A_65 = tpu.memref_slice %arg5[%dma_start3A_64] : memref<1024xi32, #tpu.memory_space<vmem>> -> memref<128xi32, #tpu.memory_space<vmem>>
      %dma_start3A_66 = arith.constant 0 : i32
      %dma_start3A_67 = arith.constant 0 : i32
      %dma_start3A_68 = tpu.memref_slice %arg7[%dma_start3A_66, %dma_start3A_67] : memref<1000x64xf32, #tpu.memory_space<vmem_shared>> -> memref<1000x64xf32, #tpu.memory_space<vmem_shared>>
      tpu.enqueue_indirect_dma source(%dma_start3A_68 : memref<1000x64xf32, #tpu.memory_space<vmem_shared>>) target(%dma_start3A_63 : memref<128x64xf32, #tpu.memory_space<vmem>>) offsets(%dma_start3A_65 : memref<128xi32, #tpu.memory_space<vmem>>) semaphore(%arg8 : memref<!tpu.dma_semaphore, #tpu.memory_space<semaphore_mem>>)
      %dma_start3A_69 = arith.constant 896 : i32
      %dma_start3A_70 = arith.constant 0 : i32
      %dma_start3A_71 = tpu.memref_slice %arg6[%dma_start3A_69, %dma_start3A_70] : memref<1024x64xf32, #tpu.memory_space<vmem>> -> memref<128x64xf32, #tpu.memory_space<vmem>>
      %dma_start3A_72 = arith.constant 896 : i32
      %dma_start3A_73 = tpu.memref_slice %arg5[%dma_start3A_72] : memref<1024xi32, #tpu.memory_space<vmem>> -> memref<128xi32, #tpu.memory_space<vmem>>
      %dma_start3A_74 = arith.constant 0 : i32
      %dma_start3A_75 = arith.constant 0 : i32
      %dma_start3A_76 = tpu.memref_slice %arg7[%dma_start3A_74, %dma_start3A_75] : memref<1000x64xf32, #tpu.memory_space<vmem_shared>> -> memref<1000x64xf32, #tpu.memory_space<vmem_shared>>
      tpu.enqueue_indirect_dma source(%dma_start3A_76 : memref<1000x64xf32, #tpu.memory_space<vmem_shared>>) target(%dma_start3A_71 : memref<128x64xf32, #tpu.memory_space<vmem>>) offsets(%dma_start3A_73 : memref<128xi32, #tpu.memory_space<vmem>>) semaphore(%arg8 : memref<!tpu.dma_semaphore, #tpu.memory_space<semaphore_mem>>)
      %dma_wait3A = arith.constant 0 : i32
      %dma_wait3A_77 = arith.constant 0 : i32
      %dma_wait3A_78 = tpu.memref_slice %arg6[%dma_wait3A, %dma_wait3A_77] : memref<1024x64xf32, #tpu.memory_space<vmem>> -> memref<128x64xf32, #tpu.memory_space<vmem>>
      %dma_wait3A_79 = arith.constant 0 : i32
      %dma_wait3A_80 = tpu.memref_slice %arg5[%dma_wait3A_79] : memref<1024xi32, #tpu.memory_space<vmem>> -> memref<128xi32, #tpu.memory_space<vmem>>
      %dma_wait3A_81 = arith.constant 0 : i32
      %dma_wait3A_82 = arith.constant 0 : i32
      %dma_wait3A_83 = tpu.memref_slice %arg7[%dma_wait3A_81, %dma_wait3A_82] : memref<1000x64xf32, #tpu.memory_space<vmem_shared>> -> memref<1000x64xf32, #tpu.memory_space<vmem_shared>>
      tpu.wait_indirect_dma semaphore(%arg8 : memref<!tpu.dma_semaphore, #tpu.memory_space<semaphore_mem>>) src(%dma_wait3A_83 : memref<1000x64xf32, #tpu.memory_space<vmem_shared>>) dst(%dma_wait3A_78 : memref<128x64xf32, #tpu.memory_space<vmem>>)
      %dma_wait3A_84 = arith.constant 128 : i32
      %dma_wait3A_85 = arith.constant 0 : i32
      %dma_wait3A_86 = tpu.memref_slice %arg6[%dma_wait3A_84, %dma_wait3A_85] : memref<1024x64xf32, #tpu.memory_space<vmem>> -> memref<128x64xf32, #tpu.memory_space<vmem>>
      %dma_wait3A_87 = arith.constant 128 : i32
      %dma_wait3A_88 = tpu.memref_slice %arg5[%dma_wait3A_87] : memref<1024xi32, #tpu.memory_space<vmem>> -> memref<128xi32, #tpu.memory_space<vmem>>
      %dma_wait3A_89 = arith.constant 0 : i32
      %dma_wait3A_90 = arith.constant 0 : i32
      %dma_wait3A_91 = tpu.memref_slice %arg7[%dma_wait3A_89, %dma_wait3A_90] : memref<1000x64xf32, #tpu.memory_space<vmem_shared>> -> memref<1000x64xf32, #tpu.memory_space<vmem_shared>>
      tpu.wait_indirect_dma semaphore(%arg8 : memref<!tpu.dma_semaphore, #tpu.memory_space<semaphore_mem>>) src(%dma_wait3A_91 : memref<1000x64xf32, #tpu.memory_space<vmem_shared>>) dst(%dma_wait3A_86 : memref<128x64xf32, #tpu.memory_space<vmem>>)
      %dma_wait3A_92 = arith.constant 256 : i32
      %dma_wait3A_93 = arith.constant 0 : i32
      %dma_wait3A_94 = tpu.memref_slice %arg6[%dma_wait3A_92, %dma_wait3A_93] : memref<1024x64xf32, #tpu.memory_space<vmem>> -> memref<128x64xf32, #tpu.memory_space<vmem>>
      %dma_wait3A_95 = arith.constant 256 : i32
      %dma_wait3A_96 = tpu.memref_slice %arg5[%dma_wait3A_95] : memref<1024xi32, #tpu.memory_space<vmem>> -> memref<128xi32, #tpu.memory_space<vmem>>
      %dma_wait3A_97 = arith.constant 0 : i32
      %dma_wait3A_98 = arith.constant 0 : i32
      %dma_wait3A_99 = tpu.memref_slice %arg7[%dma_wait3A_97, %dma_wait3A_98] : memref<1000x64xf32, #tpu.memory_space<vmem_shared>> -> memref<1000x64xf32, #tpu.memory_space<vmem_shared>>
      tpu.wait_indirect_dma semaphore(%arg8 : memref<!tpu.dma_semaphore, #tpu.memory_space<semaphore_mem>>) src(%dma_wait3A_99 : memref<1000x64xf32, #tpu.memory_space<vmem_shared>>) dst(%dma_wait3A_94 : memref<128x64xf32, #tpu.memory_space<vmem>>)
      %dma_wait3A_100 = arith.constant 384 : i32
      %dma_wait3A_101 = arith.constant 0 : i32
      %dma_wait3A_102 = tpu.memref_slice %arg6[%dma_wait3A_100, %dma_wait3A_101] : memref<1024x64xf32, #tpu.memory_space<vmem>> -> memref<128x64xf32, #tpu.memory_space<vmem>>
      %dma_wait3A_103 = arith.constant 384 : i32
      %dma_wait3A_104 = tpu.memref_slice %arg5[%dma_wait3A_103] : memref<1024xi32, #tpu.memory_space<vmem>> -> memref<128xi32, #tpu.memory_space<vmem>>
      %dma_wait3A_105 = arith.constant 0 : i32
      %dma_wait3A_106 = arith.constant 0 : i32
      %dma_wait3A_107 = tpu.memref_slice %arg7[%dma_wait3A_105, %dma_wait3A_106] : memref<1000x64xf32, #tpu.memory_space<vmem_shared>> -> memref<1000x64xf32, #tpu.memory_space<vmem_shared>>
      tpu.wait_indirect_dma semaphore(%arg8 : memref<!tpu.dma_semaphore, #tpu.memory_space<semaphore_mem>>) src(%dma_wait3A_107 : memref<1000x64xf32, #tpu.memory_space<vmem_shared>>) dst(%dma_wait3A_102 : memref<128x64xf32, #tpu.memory_space<vmem>>)
      %dma_wait3A_108 = arith.constant 512 : i32
      %dma_wait3A_109 = arith.constant 0 : i32
      %dma_wait3A_110 = tpu.memref_slice %arg6[%dma_wait3A_108, %dma_wait3A_109] : memref<1024x64xf32, #tpu.memory_space<vmem>> -> memref<128x64xf32, #tpu.memory_space<vmem>>
      %dma_wait3A_111 = arith.constant 512 : i32
      %dma_wait3A_112 = tpu.memref_slice %arg5[%dma_wait3A_111] : memref<1024xi32, #tpu.memory_space<vmem>> -> memref<128xi32, #tpu.memory_space<vmem>>
      %dma_wait3A_113 = arith.constant 0 : i32
      %dma_wait3A_114 = arith.constant 0 : i32
      %dma_wait3A_115 = tpu.memref_slice %arg7[%dma_wait3A_113, %dma_wait3A_114] : memref<1000x64xf32, #tpu.memory_space<vmem_shared>> -> memref<1000x64xf32, #tpu.memory_space<vmem_shared>>
      tpu.wait_indirect_dma semaphore(%arg8 : memref<!tpu.dma_semaphore, #tpu.memory_space<semaphore_mem>>) src(%dma_wait3A_115 : memref<1000x64xf32, #tpu.memory_space<vmem_shared>>) dst(%dma_wait3A_110 : memref<128x64xf32, #tpu.memory_space<vmem>>)
      %dma_wait3A_116 = arith.constant 640 : i32
      %dma_wait3A_117 = arith.constant 0 : i32
      %dma_wait3A_118 = tpu.memref_slice %arg6[%dma_wait3A_116, %dma_wait3A_117] : memref<1024x64xf32, #tpu.memory_space<vmem>> -> memref<128x64xf32, #tpu.memory_space<vmem>>
      %dma_wait3A_119 = arith.constant 640 : i32
      %dma_wait3A_120 = tpu.memref_slice %arg5[%dma_wait3A_119] : memref<1024xi32, #tpu.memory_space<vmem>> -> memref<128xi32, #tpu.memory_space<vmem>>
      %dma_wait3A_121 = arith.constant 0 : i32
      %dma_wait3A_122 = arith.constant 0 : i32
      %dma_wait3A_123 = tpu.memref_slice %arg7[%dma_wait3A_121, %dma_wait3A_122] : memref<1000x64xf32, #tpu.memory_space<vmem_shared>> -> memref<1000x64xf32, #tpu.memory_space<vmem_shared>>
      tpu.wait_indirect_dma semaphore(%arg8 : memref<!tpu.dma_semaphore, #tpu.memory_space<semaphore_mem>>) src(%dma_wait3A_123 : memref<1000x64xf32, #tpu.memory_space<vmem_shared>>) dst(%dma_wait3A_118 : memref<128x64xf32, #tpu.memory_space<vmem>>)
      %dma_wait3A_124 = arith.constant 768 : i32
      %dma_wait3A_125 = arith.constant 0 : i32
      %dma_wait3A_126 = tpu.memref_slice %arg6[%dma_wait3A_124, %dma_wait3A_125] : memref<1024x64xf32, #tpu.memory_space<vmem>> -> memref<128x64xf32, #tpu.memory_space<vmem>>
      %dma_wait3A_127 = arith.constant 768 : i32
      %dma_wait3A_128 = tpu.memref_slice %arg5[%dma_wait3A_127] : memref<1024xi32, #tpu.memory_space<vmem>> -> memref<128xi32, #tpu.memory_space<vmem>>
      %dma_wait3A_129 = arith.constant 0 : i32
      %dma_wait3A_130 = arith.constant 0 : i32
      %dma_wait3A_131 = tpu.memref_slice %arg7[%dma_wait3A_129, %dma_wait3A_130] : memref<1000x64xf32, #tpu.memory_space<vmem_shared>> -> memref<1000x64xf32, #tpu.memory_space<vmem_shared>>
      tpu.wait_indirect_dma semaphore(%arg8 : memref<!tpu.dma_semaphore, #tpu.memory_space<semaphore_mem>>) src(%dma_wait3A_131 : memref<1000x64xf32, #tpu.memory_space<vmem_shared>>) dst(%dma_wait3A_126 : memref<128x64xf32, #tpu.memory_space<vmem>>)
      %dma_wait3A_132 = arith.constant 896 : i32
      %dma_wait3A_133 = arith.constant 0 : i32
      %dma_wait3A_134 = tpu.memref_slice %arg6[%dma_wait3A_132, %dma_wait3A_133] : memref<1024x64xf32, #tpu.memory_space<vmem>> -> memref<128x64xf32, #tpu.memory_space<vmem>>
      %dma_wait3A_135 = arith.constant 896 : i32
      %dma_wait3A_136 = tpu.memref_slice %arg5[%dma_wait3A_135] : memref<1024xi32, #tpu.memory_space<vmem>> -> memref<128xi32, #tpu.memory_space<vmem>>
      %dma_wait3A_137 = arith.constant 0 : i32
      %dma_wait3A_138 = arith.constant 0 : i32
      %dma_wait3A_139 = tpu.memref_slice %arg7[%dma_wait3A_137, %dma_wait3A_138] : memref<1000x64xf32, #tpu.memory_space<vmem_shared>> -> memref<1000x64xf32, #tpu.memory_space<vmem_shared>>
      tpu.wait_indirect_dma semaphore(%arg8 : memref<!tpu.dma_semaphore, #tpu.memory_space<semaphore_mem>>) src(%dma_wait3A_139 : memref<1000x64xf32, #tpu.memory_space<vmem_shared>>) dst(%dma_wait3A_134 : memref<128x64xf32, #tpu.memory_space<vmem>>)
      "tpu.region"() ({
        %run_scoped3A = tpu.sem_alloc : memref<!tpu.dma_semaphore, #tpu.memory_space<semaphore_mem>>
        %dma_start3A_140 = arith.constant 0 : i32
        %dma_start3A_141 = tpu.memref_slice %arg4[%add3A_13, %dma_start3A_140] : memref<819200x64xf32, #tpu.memory_space<hbm>> -> memref<1024x64xf32, #tpu.memory_space<hbm>>
        %dma_start3A_142 = arith.constant 0 : i32
        %dma_start3A_143 = tpu.memref_slice %arg4[%add3A_13, %dma_start3A_142] : memref<819200x64xf32, #tpu.memory_space<hbm>> -> memref<1024x64xf32, #tpu.memory_space<hbm>>
        tpu.enqueue_dma source(%arg6 : memref<1024x64xf32, #tpu.memory_space<vmem>>) target(%dma_start3A_143 : memref<1024x64xf32, #tpu.memory_space<hbm>>) target_semaphore(%run_scoped3A : memref<!tpu.dma_semaphore, #tpu.memory_space<semaphore_mem>>)
        %dma_wait3A_144 = arith.constant 0 : i32
        %dma_wait3A_145 = tpu.memref_slice %arg4[%add3A_13, %dma_wait3A_144] : memref<819200x64xf32, #tpu.memory_space<hbm>> -> memref<1024x64xf32, #tpu.memory_space<hbm>>
        %dma_wait3A_146 = arith.constant 0 : i32
        %dma_wait3A_147 = tpu.memref_slice %arg4[%add3A_13, %dma_wait3A_146] : memref<819200x64xf32, #tpu.memory_space<hbm>> -> memref<1024x64xf32, #tpu.memory_space<hbm>>
        tpu.wait_dma2 semaphore(%run_scoped3A : memref<!tpu.dma_semaphore, #tpu.memory_space<semaphore_mem>>) src(%arg6 : memref<1024x64xf32, #tpu.memory_space<vmem>>) dst(%dma_wait3A_147 : memref<1024x64xf32, #tpu.memory_space<hbm>>)
        tpu.yield
      }) : () -> ()
    }
    %scan3A_9 = arith.constant 25 : i32
    return
  }
}

module attributes {stable_mosaic.version = 14 : i64} {
  func.func @_tc_body(%arg0: i32, %arg1: i32, %arg2: memref<2x50x2048xf32, #tpu.memory_space<vmem>>, %arg3: memref<2048x128xf32, #tpu.memory_space<vmem>>, %arg4: memref<64x50xf32, #tpu.memory_space<vmem>>, %arg5: memref<2x64x1xf32, #tpu.memory_space<vmem>>, %arg6: memref<2x64x2048xf32, #tpu.memory_space<vmem>>) attributes {dimension_semantics = [#tpu.dimension_semantics<arbitrary>, #tpu.dimension_semantics<arbitrary>], iteration_bounds = array<i64: 25, 8>, scalar_prefetch = 0 : i64, scratch_operands = 0 : i64, tpu.core_type = #tpu.core_type<tc>, window_params = [{transform_indices = @transform_0, window_bounds = array<i64: 2, 50, 2048>}, {transform_indices = @transform_1, window_bounds = array<i64: 2048, 128>}, {pipeline_mode = #tpu.pipeline_mode<synchronous>, transform_indices = @transform_2, window_bounds = array<i64: 64, 50>}, {transform_indices = @transform_3, window_bounds = array<i64: 2, 64, 1>}, {transform_indices = @transform_4, window_bounds = array<i64: 2, 64, 2048>}]} {
    %get3A = arith.constant 0 : index
    %get3A_0 = arith.constant 0 : index
    %get3A_1 = vector.load %arg4[%get3A, %get3A_0] : memref<64x50xf32, #tpu.memory_space<vmem>>, vector<64x50xf32>
    %get3A_2 = arith.constant 0 : index
    %get3A_3 = arith.constant 0 : index
    %get3A_4 = arith.constant 0 : index
    %get3A_5 = vector.load %arg2[%get3A_2, %get3A_3, %get3A_4] : memref<2x50x2048xf32, #tpu.memory_space<vmem>>, vector<1x50x2048xf32>
    %get3A_6 = vector.shape_cast %get3A_5 : vector<1x50x2048xf32> to vector<50x2048xf32>
    %dot_general3A = arith.constant dense<0.000000e+00> : vector<64x2048xf32>
    %dot_general3A_7 = tpu.matmul %get3A_1, %get3A_6, %dot_general3A {dimension_numbers = #tpu.dot_dimension_numbers<[1], [0], [0], [1], [0, 0, 1, 1], [], []>, transpose_lhs_hint = false} : vector<64x50xf32>, vector<50x2048xf32>, vector<64x2048xf32> -> vector<64x2048xf32>
    %get3A_8 = arith.constant 0 : index
    %get3A_9 = arith.constant 0 : index
    %get3A_10 = vector.load %arg4[%get3A_8, %get3A_9] : memref<64x50xf32, #tpu.memory_space<vmem>>, vector<64x50xf32>
    %get3A_11 = arith.constant 1 : index
    %get3A_12 = arith.constant 0 : index
    %get3A_13 = arith.constant 0 : index
    %get3A_14 = vector.load %arg2[%get3A_11, %get3A_12, %get3A_13] : memref<2x50x2048xf32, #tpu.memory_space<vmem>>, vector<1x50x2048xf32>
    %get3A_15 = vector.shape_cast %get3A_14 : vector<1x50x2048xf32> to vector<50x2048xf32>
    %dot_general3A_16 = arith.constant dense<0.000000e+00> : vector<64x2048xf32>
    %dot_general3A_17 = tpu.matmul %get3A_10, %get3A_15, %dot_general3A_16 {dimension_numbers = #tpu.dot_dimension_numbers<[1], [0], [0], [1], [0, 0, 1, 1], [], []>, transpose_lhs_hint = false} : vector<64x50xf32>, vector<50x2048xf32>, vector<64x2048xf32> -> vector<64x2048xf32>
    %get3A_18 = arith.constant 0 : index
    %get3A_19 = arith.constant 0 : index
    %get3A_20 = vector.load %arg3[%get3A_18, %get3A_19] : memref<2048x128xf32, #tpu.memory_space<vmem>>, vector<2048x128xf32>
    %transpose3A = tpu.transpose %get3A_20, [1, 0] : vector<2048x128xf32> -> vector<128x2048xf32>
    %slice3A = vector.extract_strided_slice %transpose3A {offsets = [0, 0], sizes = [64, 2048], strides = [1, 1]} : vector<128x2048xf32> to vector<64x2048xf32>
    %add3A = arith.addf %dot_general3A_7, %slice3A : vector<64x2048xf32>
    %get3A_21 = arith.constant 0 : index
    %get3A_22 = arith.constant 0 : index
    %get3A_23 = arith.constant 0 : index
    %get3A_24 = vector.load %arg5[%get3A_21, %get3A_22, %get3A_23] : memref<2x64x1xf32, #tpu.memory_space<vmem>>, vector<1x64x1xf32>
    %get3A_25 = vector.shape_cast %get3A_24 : vector<1x64x1xf32> to vector<64x1xf32>
    %add3A_26 = vector.broadcast %get3A_25 : vector<64x1xf32> to vector<64x2048xf32>
    %add3A_27 = arith.addf %add3A, %add3A_26 : vector<64x2048xf32>
    %swap3A = arith.constant 0 : index
    %swap3A_28 = arith.constant 0 : index
    %swap3A_29 = arith.constant 0 : index
    %swap3A_30 = vector.load %arg6[%swap3A, %swap3A_28, %swap3A_29] : memref<2x64x2048xf32, #tpu.memory_space<vmem>>, vector<1x64x2048xf32>
    %swap3A_31 = vector.shape_cast %swap3A_30 : vector<1x64x2048xf32> to vector<64x2048xf32>
    %swap3A_32 = vector.shape_cast %add3A_27 : vector<64x2048xf32> to vector<1x64x2048xf32>
    tpu.vector_store %arg6[%swap3A, %swap3A_28, %swap3A_29], %swap3A_32 {strides = array<i32>} : memref<2x64x2048xf32, #tpu.memory_space<vmem>>, vector<1x64x2048xf32>,
    %slice3A_33 = vector.extract_strided_slice %transpose3A {offsets = [64, 0], sizes = [64, 2048], strides = [1, 1]} : vector<128x2048xf32> to vector<64x2048xf32>
    %add3A_34 = arith.addf %dot_general3A_17, %slice3A_33 : vector<64x2048xf32>
    %get3A_35 = arith.constant 1 : index
    %get3A_36 = arith.constant 0 : index
    %get3A_37 = arith.constant 0 : index
    %get3A_38 = vector.load %arg5[%get3A_35, %get3A_36, %get3A_37] : memref<2x64x1xf32, #tpu.memory_space<vmem>>, vector<1x64x1xf32>
    %get3A_39 = vector.shape_cast %get3A_38 : vector<1x64x1xf32> to vector<64x1xf32>
    %add3A_40 = vector.broadcast %get3A_39 : vector<64x1xf32> to vector<64x2048xf32>
    %add3A_41 = arith.addf %add3A_34, %add3A_40 : vector<64x2048xf32>
    %swap3A_42 = arith.constant 1 : index
    %swap3A_43 = arith.constant 0 : index
    %swap3A_44 = arith.constant 0 : index
    %swap3A_45 = vector.load %arg6[%swap3A_42, %swap3A_43, %swap3A_44] : memref<2x64x2048xf32, #tpu.memory_space<vmem>>, vector<1x64x2048xf32>
    %swap3A_46 = vector.shape_cast %swap3A_45 : vector<1x64x2048xf32> to vector<64x2048xf32>
    %swap3A_47 = vector.shape_cast %add3A_41 : vector<64x2048xf32> to vector<1x64x2048xf32>
    tpu.vector_store %arg6[%swap3A_42, %swap3A_43, %swap3A_44], %swap3A_47 {strides = array<i32>} : memref<2x64x2048xf32, #tpu.memory_space<vmem>>, vector<1x64x2048xf32>,
    return
  }
  func.func @transform_0(%arg0: i32, %arg1: i32) -> (i32, i32, i32) {
    %c0_i32 = arith.constant 0 : i32
    %c0_i32_0 = arith.constant 0 : i32
    return %arg0, %c0_i32, %arg1 : i32, i32, i32
  }
  func.func @transform_1(%arg0: i32, %arg1: i32) -> (i32, i32) {
    %mul3A = arith.constant 8 : i32
    %mul3A_0 = arith.muli %arg0, %mul3A : i32
    %add3A = arith.addi %mul3A_0, %arg1 : i32
    %c0_i32 = arith.constant 0 : i32
    %c0_i32_1 = arith.constant 0 : i32
    return %add3A, %c0_i32 : i32, i32
  }
  func.func @transform_2(%arg0: i32, %arg1: i32) -> (i32, i32) {
    %c0_i32 = arith.constant 0 : i32
    %c0_i32_0 = arith.constant 0 : i32
    %c0_i32_1 = arith.constant 0 : i32
    return %c0_i32, %c0_i32_0 : i32, i32
  }
  func.func @transform_3(%arg0: i32, %arg1: i32) -> (i32, i32, i32) {
    %c0_i32 = arith.constant 0 : i32
    %c0_i32_0 = arith.constant 0 : i32
    %c0_i32_1 = arith.constant 0 : i32
    return %arg0, %c0_i32, %c0_i32_0 : i32, i32, i32
  }
  func.func @transform_4(%arg0: i32, %arg1: i32) -> (i32, i32, i32) {
    %c0_i32 = arith.constant 0 : i32
    %c0_i32_0 = arith.constant 0 : i32
    return %arg0, %c0_i32, %arg1 : i32, i32, i32
  }
}

</mosaic_0001>

<sc_bundles>
// kernel: kernel.4.cloned.1.call-start
scs
__scs_entry_jumppad:
0x0: {  	(pc) =	sbr.rel $0x88, $3  }
0x1: {  	(tag) =	ssettag $0x0;
	lr =	simm.s32 $0x1  }
0x2: {  	[smem:$0x3F9C] =	sst lr;
	_ =	strace $0xD0000000  }
0x3: {  	_ = 	snop  }
0x4: {  	_ = 	snop  }
0x5: {  	_ = 	snop  }
0x6: {  	_ = 	snop  }
0x7: {  	_ = 	snop  }
__scs_overlays_trampoline_lowered:
0x8: {  	[smem:$0x3FAB] =	sst s0  }
0x9: {  	[smem:$0x3FAC] =	sst s1  }
0xa: {  	[smem:$0x3FAD] =	sst s2  }
0xb: {  	[smem:$0x3FAE] =	sst s3  }
0xc: {  	[smem:$0x3FAF] =	sst s4  }
0xd: {  	[smem:$0x3FB0] =	sst s5  }
0xe: {  	[smem:$0x3FB1] =	sst s6  }
0xf: {  	[smem:$0x3FB2] =	sst s7  }
0x10: {  	[smem:$0x3FB3] =	sst s8  }
0x11: {  	[smem:$0x3FB4] =	sst s9;
	s0 =	simm.s32 @!p0 $0x0  }
0x12: {  	s1 =	sld [smem:$0x3F9A];
	s0 =	simm.s32 @p0 $0x1  }
0x13: {  	[smem:$0x3FB5] =	sst s0;
	s0 =	simm.s32 @!p1 $0x0  }
0x14: {  	s2 =	sld [smem:$0x3F99];
	s0 =	simm.s32 @p1 $0x1  }
0x15: {  	[smem:$0x3FB6] =	sst s0;
	s0 =	simm.s32 @!p2 $0x0  }
0x16: {  	s3 =	sld [smem:$0x3FDB];
	s0 =	simm.s32 @p2 $0x1  }
0x17: {  	s4 =	simm.s32 $0x1BF5;
	[smem:$0x3FB8] =	sst s0  }
0x18: {  	s0 =	sld [smem:$0x3F9B];
	_ =	swait.ge [sflag:s4], $0x0  }
0x19: {  	s7 =	sld [smem:$0x3F9C]  }
0x1a: {  	s8 =	sadd.s32 $0xFFFFE003, lr  }
0x1b: {  	s9 =	sadd.s32 $0xFFFFFEF7, lr;
	s5 =	simm.s32 $0xFFFFFFFF;
	p2 =	slt.u32 s8, $0xFFFFF086  }
0x1c: {  	p1 =	slt.u32 s9, $0xF7A;
	s5 =	simm.s32 @!p2 $0x0  }
0x1d: {  	s5 =	simm.s32 @p1 $0x1;
	p0 =	seq.s32 s7, s2  }
0x1e: {  	s7 =	smul.u32 @!p0 $0xF7A, s2;
	p2 =	seq.s32 @!p0 s5, $0x0  }
0x1f: {  	s9 =	smul.u32 $0xF7A, s1;
	s8 =	simm.s32 @!p0 $0x1BF5;
	p2 =	por !p2, p0  }
0x20: {  	[sflag:s8] =	ssyncset.s32 @!p0 $0xFFFFF086;
	s6 =	sadd.s32 @!p0 s3, s7;
	s7 =	simm.s32 @!p0 $0x108  }
0x21: {  	s3 =	sadd.s32 s3, s9;
	s6 =	sadd.s32 @!p0 $0x88, s6;
	s7 =	simm.s32 @p2 $0x1082  }
0x22: {  	[simem:s7], [sflag:s8] =	dma.local @!p0 [hbm:s6], $0xF7A  }
0x23: {  	s9 =	sor.u32 $0xD0000000, s2;
	s6 =	simm.s32 $0x108;
	_ =	swait.ge @!p0 [sflag:s8], $0x0  }
0x24: {  	s3 =	sadd.s32 $0x88, s3;
	s6 =	simm.s32 @!p1 $0x1082;
	[sflag:s4] =	ssyncset.s32 $0xFFFFF086  }
0x25: {  	[simem:s6], [sflag:s4] =	dma.local [hbm:s3], $0xF7A  }
0x26: {  	[smem:$0x3F9C] =	sst s1;
	(tag) =	ssettag s2;
	_ =	strace s9  }
0x27: {  	s1 =	sld [smem:$0x3FAC]  }
0x28: {  	s2 =	sld [smem:$0x3FAD]  }
0x29: {  	s4 =	sld [smem:$0x3FAF]  }
0x2a: {  	p0 =	seq.s32 s5, $0x0;
	s5 =	sld [smem:$0x3FB0]  }
0x2b: {  	s6 =	sld [smem:$0x3FB1]  }
0x2c: {  	s7 =	sld [smem:$0x3FB2]  }
0x2d: {  	s3 =	simm.s32 $0x108;
	s8 =	sld [smem:$0x3FB3]  }
0x2e: {  	s3 =	simm.s32 @!p0 $0x1082;
	s9 =	sld [smem:$0x3FB4]  }
0x2f: {  	lr =	sadd.s32 s0, s3;
	s0 =	sld [smem:$0x3FAB]  }
0x30: {  	s3 =	sld [smem:$0x3FAE]  }
0x31: {  	[smem:$0x3FB7] =	sst s10  }
0x32: {  	s10 =	sld [smem:$0x3FB5];
	_ =	sdelay $0x3  }
0x33: {  	p0 =	seq.s32 s10, $0x1;
	s10 =	sld [smem:$0x3FB7];
	_ =	sdelay $0x3  }
0x34: {  	[smem:$0x3FB7] =	sst s10  }
0x35: {  	s10 =	sld [smem:$0x3FB6];
	_ =	sdelay $0x3  }
0x36: {  	p1 =	seq.s32 s10, $0x1;
	s10 =	sld [smem:$0x3FB7];
	_ =	sdelay $0x3  }
0x37: {  	[smem:$0x3FB7] =	sst s10  }
0x38: {  	s10 =	sld [smem:$0x3FB8]  }
0x39: {  	_ = 	snop;
	(pc) =	sbr.ind lr, $3  }
0x3a: {  	_ = 	snop  }
0x3b: {  	_ = 	snop  }
0x3c: {  	p2 =	seq.s32 s10, $0x1;
	s10 =	sld [smem:$0x3FB7]  }
0x3d: {  	_ =	shalt  }
0x3e: {  	_ =	shalt  }
0x3f: {  	_ =	shalt  }
0x40: {  	_ =	shalt  }
0x41: {  	_ =	shalt  }
0x42: {  	_ =	shalt  }
0x43: {  	_ =	shalt  }
0x44: {  	_ =	shalt  }
0x45: {  	_ =	shalt  }
0x46: {  	_ =	shalt  }
0x47: {  	_ =	shalt  }
0x48: {  	_ =	shalt  }
0x49: {  	_ =	shalt  }
0x4a: {  	_ =	shalt  }
0x4b: {  	_ =	shalt  }
0x4c: {  	_ =	shalt  }
0x4d: {  	_ =	shalt  }
0x4e: {  	_ =	shalt  }
0x4f: {  	_ =	shalt  }
0x50: {  	_ =	shalt  }
0x51: {  	_ =	shalt  }
0x52: {  	_ =	shalt  }
0x53: {  	_ =	shalt  }
0x54: {  	_ =	shalt  }
0x55: {  	_ =	shalt  }
0x56: {  	_ =	shalt  }
0x57: {  	_ =	shalt  }
0x58: {  	_ =	shalt  }
0x59: {  	_ =	shalt  }
0x5a: {  	_ =	shalt  }
0x5b: {  	_ =	shalt  }
0x5c: {  	_ =	shalt  }
0x5d: {  	_ =	shalt  }
0x5e: {  	_ =	shalt  }
0x5f: {  	_ =	shalt  }
0x60: {  	_ =	shalt  }
0x61: {  	_ =	shalt  }
0x62: {  	_ =	shalt  }
0x63: {  	_ =	shalt  }
0x64: {  	_ =	shalt  }
0x65: {  	_ =	shalt  }
0x66: {  	_ =	shalt  }
0x67: {  	_ =	shalt  }
0x68: {  	_ =	shalt  }
0x69: {  	_ =	shalt  }
0x6a: {  	_ =	shalt  }
0x6b: {  	_ =	shalt  }
0x6c: {  	_ =	shalt  }
0x6d: {  	_ =	shalt  }
0x6e: {  	_ =	shalt  }
0x6f: {  	_ =	shalt  }
0x70: {  	_ =	shalt  }
0x71: {  	_ =	shalt  }
0x72: {  	_ =	shalt  }
0x73: {  	_ =	shalt  }
0x74: {  	_ =	shalt  }
0x75: {  	_ =	shalt  }
0x76: {  	_ =	shalt  }
0x77: {  	_ =	shalt  }
0x78: {  	_ =	shalt  }
0x79: {  	_ =	shalt  }
0x7a: {  	_ =	shalt  }
0x7b: {  	_ =	shalt  }
0x7c: {  	_ =	shalt  }
0x7d: {  	_ =	shalt  }
0x7e: {  	_ =	shalt  }
0x7f: {  	_ =	shalt  }
0x80: {  	_ =	shalt  }
0x81: {  	_ =	shalt  }
0x82: {  	_ =	shalt  }
0x83: {  	_ =	shalt  }
0x84: {  	_ =	shalt  }
0x85: {  	_ =	shalt  }
0x86: {  	_ =	shalt  }
0x87: {  	_ =	shalt  }
.Lfunc_end0:
.L_simem_size_0:
called_computation_lowered:
.L_overlay_start_0:
0x88: {  	s2 =	sld [smem:$0x3FD9]  }
0x89: {  	s3 =	sld [smem:$0x3FFE];
	_ =	sdelay $0x1  }
0x8a: {  	s1 =	srdreg.scid  }
0x8b: {  	s0 =	sand.u32 $0x1, s1  }
0x8c: {  	s16 =	sshll.u32 s0, $0xA;
	s2 =	sadd.s32 s3, s2  }
0x8d: {  	s2 =	sadd.s32 s2, s16  }
0x8e: {  	[smem:$0x3FC3] =	sst s2  }
0x8f: {  	_ = 	snop  }
0x90: {  	(tm) =	ssettm $0x1  }
0x91: {  	s17 =	sld [smem:$0x3FFB];
	_ =	sdelay $0x3  }
0x92: {  	_ =	strace s17  }
0x93: {  	s2 =	sld [smem:$0x3FFC];
	_ =	sdelay $0x3  }
0x94: {  	_ =	strace s2  }
0x95: {  	s2 =	sld [smem:$0x3FFD];
	_ =	sdelay $0x3  }
0x96: {  	_ =	strace s2  }
0x97: {  	_ =	strace $0x8FFFFFFF  }
0x98: {  	s18 =	sld [smem:$0x3FDB];
	_ =	sdelay $0x1  }
0x99: {  	s19 =	simm.s32 $_scs_section_size  }
0x9a: {  	s4 =	simm.s32 $_size__tile_overlayer_lowered;
	s5 =	simm.s32 $_tile_overlayer_lowered  }
0x9b: {  	s22 =	simm.s32 $0x1BFF;
	s21 =	sshll.u32 s5, $0x1;
	s2 =	sadd.s32 s19, s18  }
0x9c: {  	s6 =	simm.s32 $0x0;
	s20 =	sshll.u32 s4, $0x1;
	s4 =	sadd.s32 s21, s2  }
0x9d: {  	[timem:s6], [sflag:s22] =	dma.local [hbm:s4], s20  }
0x9e: {  	_ =	swait.ge [sflag:s22], s20  }
0x9f: {  	s3 =	ssub.s32 $0x0, s20;
	[sflag:s22] =	ssyncset.done $0x0  }
0xa0: {  	[sflag:s22] =	ssyncadd.s32 s3;
	_ =	sdelay $0x1  }
0xa1: {  	s23 =	simm.s32 $0x1B8B  }
0xa2: {  	_ =	swait.ge [sflag:s23], $0x1  }
0xa3: {  	[sflag:s23] =	ssyncset.done $0x0  }
0xa4: {  	s25 =	simm.s32 $0x1B8E;
	s24 =	sld [smem:$0x3FFE];
	[sflag:s23] =	ssyncadd.s32 $0xFFFFFFFF  }
0xa5: {  	s26 =	simm.s32 $execute0_lowered;
	[smem:$0x3FD2] =	sst s25  }
0xa6: {  	s4 =	sshll.u32 s26, $0x1;
	_ =	strace $0x80000046;
	[dreg:$0x1] =	wrdreg $0xFFFFFFFF  }
0xa7: {  	s28 =	simm.s32 $_size_execute0_lowered;
	s2 =	sadd.s32 s2, s4;
	[dreg:$0x0] =	wrdreg $0x0  }
0xa8: {  	s4 =	sshll.u32 s28, $0x1;
	[dreg:$0x2] =	wrdreg s2  }
0xa9: {  	[dreg:$0x3] =	wrdreg s4  }
0xaa: {  	[dreg:$0x4] =	wrdreg $0xC0  }
0xab: {  	_ =	task [dreg:s6], $0x5FFFF  }
0xac: {  	[dreg:$0x1] =	wrdreg $0xFFFFFFFF  }
0xad: {  	[dreg:$0x0] =	wrdreg $0x60  }
0xae: {  	[dreg:$0x2] =	wrdreg s24  }
0xaf: {  	[dreg:$0x3] =	wrdreg $0x104000  }
0xb0: {  	[dreg:$0x4] =	wrdreg $0x9  }
0xb1: {  	_ =	task.clear_ibuf [dreg:s6], $0x5FFFF;
	_ =	strace $0x90000046  }
0xb2: {  	s29 =	simm.s32 $0x9;
	_ =	strace $0x80000048  }
0xb3: {  	_ =	swait.ge [sflag:s29], $0x1  }
0xb4: {  	[sflag:s29] =	ssyncadd.s32 $0xFFFFFFFF  }
0xb5: {  	_ =	strace $0x90000048  }
0xb6: {  	_ =	sfence  }
0xb7: {  	s30 =	sld [smem:$0x0];
	_ =	sdelay $0x2  }
0xb8: {  	s31 =	sshll.u32 s1, $0xD;
	s1 =	sshrl.u32 s1, $0x2  }
0xb9: {  	s3 =	sand.u32 $0x4000, s31;
	s1 =	sadd.s32 s1, s30  }
0xba: {  	s0 =	sor.u32 s3, s0;
	s1 =	sshll.u32 s1, $0x11  }
0xbb: {  	s0 =	sor.u32 s1, s0  }
0xbc: {  	s0 =	sadd.s32 $0x8F2B, s0  }
0xbd: {  	[sflag:s0] =	ssyncadd.remote.s32 $0x1  }
0xbe: {  	_ =	sfence.sel $0xFFFF  }
0xbf: {  	[dreg:$0x0] =	wrdreg $0xFFFFFFFF;
	(pc) =	sbr.abs _section_cstart, $3  }
0xc0: {  	[dreg:$0x1] =	wrdreg $0xFFFFFFFF  }
0xc1: {  	_ =	task.clear_ibuf [dreg:s6], $0x2FFFF;
	_ =	strace $0x9FFFFFFF  }
0xc2: {  	(tm) =	ssettm $0x7FFFFFFF  }
0xc3: {  	_ =	shalt  }
tec
execute0_lowered:
.L_overlay_start_1:
0x0: {  	(tag) =	ssettag $0x1  }
0x1: {  	s4 =	rddreg [dreg:$0x0]  }
0x2: {  	s1 =	rddreg [dreg:$0x1]  }
0x3: {  	s0 =	rddreg [dreg:$0x2]  }
0x4: {  	s3 =	srdreg.scid;
	s5 =	stileid.u32;
	s2 =	simm.s32 $0x0  }
0x5: {  	s11 =	simm.s32 $0x2400;
	s12 =	simm.s32 $0x100;
	s13 =	simm.s32 $0x4400  }
0x6: {  	s14 =	simm.s32 $0x180;
	s15 =	simm.s32 $0x6400;
	s16 =	simm.s32 $0x200  }
0x7: {  	s17 =	simm.s32 $0x8400;
	s18 =	simm.s32 $0x280;
	s19 =	simm.s32 $0xA400  }
0x8: {  	s20 =	simm.s32 $0x300;
	s21 =	simm.s32 $0xC400;
	s22 =	simm.s32 $0x380  }
0x9: {  	s23 =	simm.s32 $0xE400;
	s24 =	simm.s32 $0x1;
	s7 =	smul.u32 $0xC800, s5  }
0xa: {  	s25 =	simm.s32 $0x0;
	s6 =	sand.u32 $0x1, s3;
	s30 =	smul.u32 $0x64000, s5  }
0xb: {  	[smem:$0x7FF] =	sst s2;
	s3 =	sadd.s32 $0x600, s4;
	s8 =	smul.u32 $0x6400, s6  }
0xc: {  	p0 =	sne.s32 s5, $0x0;
	_ =	strace $0x80000047;
	s9 =	ssub.s32 $0x2, s6  }
0xd: {  	s6 =	smul.u32 $0x32000, s6;
	s10 =	sshrl.u32 s9, $0x1;
	s7 =	sadd.s32 s8, s7  }
0xe: {  	s8 =	sadd.s32 s30, s4;
	s31 =	ssub.s32 s9, s10;
	s9 =	simm.s32 $0x80  }
0xf: {  	s10 =	simm.s32 $0x400;
	s7 =	sshrl.u32 s7, $0x3;
	s6 =	sadd.s32 s6, s8  }
0x10: {  	s8 =	simm.s32 $0x2;
	s7 =	sadd.s32 s7, s4;
	s4 =	smax.u32 s31, $0x1  }
0x11: {  	s5 =	sadd.s32 $0x1B600, s6;
	s6 =	sadd.s32 $0x2600, s7;
	s7 =	sshrl.u32 @!p0 s1, $0x3  }
.LBB2_1:
0x12: {  	s26 =	simm.s32 @!p0 $0x1C02  }
0x13: {  	[spmem:s7], [sflag:s26] =	dma.local @!p0 [hbm:s3], $0x1F40  }
0x14: {  	s26 =	simm.s32 @!p0 $0x2  }
0x15: {  	_ =	swait.ge @!p0 [sflag:s26], $0x1F40  }
0x16: {  	[sflag:s26] =	ssyncset.done @!p0 $0x0  }
0x17: {  	[sflag:s26] =	ssyncadd.s32 @!p0 $0xFFFFE0C0  }
0x18: {  	s31 =	sadd.s32 $0x0, s6;
	[bflag:$0x0] =	sbarrier.arrive $0xFFFF  }
0x19: {  	[tilespmem:s2], [sflag:$0x2] =	stream.linear.gather [hbm4b:s31+s2], $0x400, $0x38;
	[tilespmem:$0x113A0] =	vst v63  }
0x1a: {  	_ =	swait.ge [sflag:s8], $0x400  }
0x1b: {  	[sflag:s8] =	ssyncset.done $0x0  }
0x1c: {  	[sflag:s8] =	ssyncadd.s32 $0xFFFFFC00  }
0x1d: {  	[tilespmem:s10], [sflag:$0x1] =	stream.indirect.gather [spmem:s1], $0x40, s2, s9, $0xb8;
	[tilespmem:$0x113A0] =	vst v63  }
0x1e: {  	_ = 	snop  }
0x1f: {  	[tilespmem:s11], [sflag:$0x1] =	stream.indirect.gather [spmem:s1], $0x40, s9, s9, $0xb8;
	[tilespmem:$0x113A0] =	vst v63  }
0x20: {  	_ = 	snop  }
0x21: {  	[tilespmem:s13], [sflag:$0x1] =	stream.indirect.gather [spmem:s1], $0x40, s12, s9, $0xb8;
	[tilespmem:$0x113A0] =	vst v63  }
0x22: {  	_ = 	snop  }
0x23: {  	[tilespmem:s15], [sflag:$0x1] =	stream.indirect.gather [spmem:s1], $0x40, s14, s9, $0xb8;
	[tilespmem:$0x113A0] =	vst v63  }
0x24: {  	_ = 	snop  }
0x25: {  	[tilespmem:s17], [sflag:$0x1] =	stream.indirect.gather [spmem:s1], $0x40, s16, s9, $0xb8;
	[tilespmem:$0x113A0] =	vst v63  }
0x26: {  	_ = 	snop  }
0x27: {  	[tilespmem:s19], [sflag:$0x1] =	stream.indirect.gather [spmem:s1], $0x40, s18, s9, $0xb8;
	[tilespmem:$0x113A0] =	vst v63  }
0x28: {  	_ = 	snop  }
0x29: {  	[tilespmem:s21], [sflag:$0x1] =	stream.indirect.gather [spmem:s1], $0x40, s20, s9, $0xb8;
	[tilespmem:$0x113A0] =	vst v63  }
0x2a: {  	_ = 	snop  }
0x2b: {  	[tilespmem:s23], [sflag:$0x1] =	stream.indirect.gather [spmem:s1], $0x40, s22, s9, $0xb8;
	[tilespmem:$0x113A0] =	vst v63  }
0x2c: {  	_ =	swait.ge [sflag:s24], $0x2000  }
0x2d: {  	[sflag:s24] =	ssyncset.done $0x0  }
0x2e: {  	[sflag:s24] =	ssyncadd.s32 $0xFFFFE000  }
0x2f: {  	_ =	swait.ge [sflag:s24], $0x2000  }
0x30: {  	[sflag:s24] =	ssyncset.done $0x0  }
0x31: {  	[sflag:s24] =	ssyncadd.s32 $0xFFFFE000  }
0x32: {  	_ =	swait.ge [sflag:s24], $0x2000  }
0x33: {  	[sflag:s24] =	ssyncset.done $0x0  }
0x34: {  	[sflag:s24] =	ssyncadd.s32 $0xFFFFE000  }
0x35: {  	_ =	swait.ge [sflag:s24], $0x2000  }
0x36: {  	[sflag:s24] =	ssyncset.done $0x0  }
0x37: {  	[sflag:s24] =	ssyncadd.s32 $0xFFFFE000  }
0x38: {  	_ =	swait.ge [sflag:s24], $0x2000  }
0x39: {  	[sflag:s24] =	ssyncset.done $0x0  }
0x3a: {  	[sflag:s24] =	ssyncadd.s32 $0xFFFFE000  }
0x3b: {  	_ =	swait.ge [sflag:s24], $0x2000  }
0x3c: {  	[sflag:s24] =	ssyncset.done $0x0  }
0x3d: {  	[sflag:s24] =	ssyncadd.s32 $0xFFFFE000  }
0x3e: {  	_ =	swait.ge [sflag:s24], $0x2000  }
0x3f: {  	[sflag:s24] =	ssyncset.done $0x0  }
0x40: {  	[sflag:s24] =	ssyncadd.s32 $0xFFFFE000  }
0x41: {  	_ =	swait.ge [sflag:s24], $0x2000  }
0x42: {  	[sflag:s24] =	ssyncset.done $0x0  }
0x43: {  	[sflag:s24] =	ssyncadd.s32 $0xFFFFE000  }
0x44: {  	[hbm4b:s5+s2] =	stream.linear.scatter [tilespmem:s10], [sflag:$0x2], $0x10000, $0x38;
	[tilespmem:$0x113A0] =	vst v63  }
0x45: {  	s28 =	simm.s32 $0x80;
	_ =	swait.ge [sflag:s8], $0x10000  }
0x46: {  	s30 =	simm.s32 $0x100;
	s26 =	sadd.s32 $0x2000, s5;
	[sflag:s8] =	ssyncset.done $0x0  }
.LBB2_2:
0x47: {  	s31 =	sadd.s32 s28, s6  }
0x48: {  	[sflag:s8] =	ssyncadd.s32 $0xFFFF0000;
	s28 =	smov.u32 s30;
	s29 =	sadd.s32 $0x80, s30  }
0x49: {  	[tilespmem:s2], [sflag:$0x2] =	stream.linear.gather [hbm4b:s31+s2], $0x400, $0x38;
	[tilespmem:$0x113A0] =	vst v63  }
0x4a: {  	p1 =	sne.s32 s30, $0xC00;
	_ =	swait.ge [sflag:s8], $0x400  }
0x4b: {  	[sflag:s8] =	ssyncset.done $0x0  }
0x4c: {  	[sflag:s8] =	ssyncadd.s32 $0xFFFFFC00  }
0x4d: {  	[tilespmem:s10], [sflag:$0x1] =	stream.indirect.gather [spmem:s1], $0x40, s2, s9, $0xb8;
	[tilespmem:$0x113A0] =	vst v63  }
0x4e: {  	_ = 	snop  }
0x4f: {  	[tilespmem:s11], [sflag:$0x1] =	stream.indirect.gather [spmem:s1], $0x40, s9, s9, $0xb8;
	[tilespmem:$0x113A0] =	vst v63  }
0x50: {  	_ = 	snop  }
0x51: {  	[tilespmem:s13], [sflag:$0x1] =	stream.indirect.gather [spmem:s1], $0x40, s12, s9, $0xb8;
	[tilespmem:$0x113A0] =	vst v63  }
0x52: {  	_ = 	snop  }
0x53: {  	[tilespmem:s15], [sflag:$0x1] =	stream.indirect.gather [spmem:s1], $0x40, s14, s9, $0xb8;
	[tilespmem:$0x113A0] =	vst v63  }
0x54: {  	_ = 	snop  }
0x55: {  	[tilespmem:s17], [sflag:$0x1] =	stream.indirect.gather [spmem:s1], $0x40, s16, s9, $0xb8;
	[tilespmem:$0x113A0] =	vst v63  }
0x56: {  	_ = 	snop  }
0x57: {  	[tilespmem:s19], [sflag:$0x1] =	stream.indirect.gather [spmem:s1], $0x40, s18, s9, $0xb8;
	[tilespmem:$0x113A0] =	vst v63  }
0x58: {  	_ = 	snop  }
0x59: {  	[tilespmem:s21], [sflag:$0x1] =	stream.indirect.gather [spmem:s1], $0x40, s20, s9, $0xb8;
	[tilespmem:$0x113A0] =	vst v63  }
0x5a: {  	_ = 	snop  }
0x5b: {  	[tilespmem:s23], [sflag:$0x1] =	stream.indirect.gather [spmem:s1], $0x40, s22, s9, $0xb8;
	[tilespmem:$0x113A0] =	vst v63  }
0x5c: {  	_ =	swait.ge [sflag:s24], $0x2000  }
0x5d: {  	[sflag:s24] =	ssyncset.done $0x0  }
0x5e: {  	[sflag:s24] =	ssyncadd.s32 $0xFFFFE000  }
0x5f: {  	_ =	swait.ge [sflag:s24], $0x2000  }
0x60: {  	[sflag:s24] =	ssyncset.done $0x0  }
0x61: {  	[sflag:s24] =	ssyncadd.s32 $0xFFFFE000  }
0x62: {  	_ =	swait.ge [sflag:s24], $0x2000  }
0x63: {  	[sflag:s24] =	ssyncset.done $0x0  }
0x64: {  	[sflag:s24] =	ssyncadd.s32 $0xFFFFE000  }
0x65: {  	_ =	swait.ge [sflag:s24], $0x2000  }
0x66: {  	[sflag:s24] =	ssyncset.done $0x0  }
0x67: {  	[sflag:s24] =	ssyncadd.s32 $0xFFFFE000  }
0x68: {  	_ =	swait.ge [sflag:s24], $0x2000  }
0x69: {  	[sflag:s24] =	ssyncset.done $0x0  }
0x6a: {  	[sflag:s24] =	ssyncadd.s32 $0xFFFFE000  }
0x6b: {  	_ =	swait.ge [sflag:s24], $0x2000  }
0x6c: {  	[sflag:s24] =	ssyncset.done $0x0  }
0x6d: {  	[sflag:s24] =	ssyncadd.s32 $0xFFFFE000  }
0x6e: {  	_ =	swait.ge [sflag:s24], $0x2000  }
0x6f: {  	[sflag:s24] =	ssyncset.done $0x0  }
0x70: {  	[sflag:s24] =	ssyncadd.s32 $0xFFFFE000  }
0x71: {  	_ =	swait.ge [sflag:s24], $0x2000  }
.Ltmp0:
0x72: {  	[sflag:s24] =	ssyncset.done $0x0;
	(pc) =	sbr.rel @p1 .LBB2_2-.Ltmp0, $4  }
0x73: {  	[sflag:s24] =	ssyncadd.s32 $0xFFFFE000  }
0x74: {  	[hbm4b:s26+s2] =	stream.linear.scatter [tilespmem:s10], [sflag:$0x2], $0x10000, $0x38;
	[tilespmem:$0x113A0] =	vst v63  }
0x75: {  	_ =	swait.ge [sflag:s8], $0x10000  }
0x76: {  	s30 =	smov.u32 s29;
	s26 =	sadd.s32 $0x2000, s26;
	[sflag:s8] =	ssyncset.done $0x0  }
0x77: {  	s28 =	sadd.s32 s28, s6;
	[sflag:s8] =	ssyncadd.s32 $0xFFFF0000  }
0x78: {  	[tilespmem:s2], [sflag:$0x2] =	stream.linear.gather [hbm4b:s28+s2], $0x400, $0x38;
	[tilespmem:$0x113A0] =	vst v63  }
0x79: {  	_ =	swait.ge [sflag:s8], $0x400  }
0x7a: {  	[sflag:s8] =	ssyncset.done $0x0  }
0x7b: {  	[sflag:s8] =	ssyncadd.s32 $0xFFFFFC00  }
0x7c: {  	[tilespmem:s10], [sflag:$0x1] =	stream.indirect.gather [spmem:s1], $0x40, s2, s9, $0xb8;
	[tilespmem:$0x113A0] =	vst v63  }
0x7d: {  	_ = 	snop  }
0x7e: {  	[tilespmem:s11], [sflag:$0x1] =	stream.indirect.gather [spmem:s1], $0x40, s9, s9, $0xb8;
	[tilespmem:$0x113A0] =	vst v63  }
0x7f: {  	_ = 	snop  }
0x80: {  	[tilespmem:s13], [sflag:$0x1] =	stream.indirect.gather [spmem:s1], $0x40, s12, s9, $0xb8;
	[tilespmem:$0x113A0] =	vst v63  }
0x81: {  	_ = 	snop  }
0x82: {  	[tilespmem:s15], [sflag:$0x1] =	stream.indirect.gather [spmem:s1], $0x40, s14, s9, $0xb8;
	[tilespmem:$0x113A0] =	vst v63  }
0x83: {  	_ = 	snop  }
0x84: {  	[tilespmem:s17], [sflag:$0x1] =	stream.indirect.gather [spmem:s1], $0x40, s16, s9, $0xb8;
	[tilespmem:$0x113A0] =	vst v63  }
0x85: {  	_ = 	snop  }
0x86: {  	[tilespmem:s19], [sflag:$0x1] =	stream.indirect.gather [spmem:s1], $0x40, s18, s9, $0xb8;
	[tilespmem:$0x113A0] =	vst v63  }
0x87: {  	_ = 	snop  }
0x88: {  	[tilespmem:s21], [sflag:$0x1] =	stream.indirect.gather [spmem:s1], $0x40, s20, s9, $0xb8;
	[tilespmem:$0x113A0] =	vst v63  }
0x89: {  	_ = 	snop  }
0x8a: {  	[tilespmem:s23], [sflag:$0x1] =	stream.indirect.gather [spmem:s1], $0x40, s22, s9, $0xb8;
	[tilespmem:$0x113A0] =	vst v63  }
0x8b: {  	_ =	swait.ge [sflag:s24], $0x2000  }
0x8c: {  	[sflag:s24] =	ssyncset.done $0x0  }
0x8d: {  	[sflag:s24] =	ssyncadd.s32 $0xFFFFE000  }
0x8e: {  	_ =	swait.ge [sflag:s24], $0x2000  }
0x8f: {  	[sflag:s24] =	ssyncset.done $0x0  }
0x90: {  	[sflag:s24] =	ssyncadd.s32 $0xFFFFE000  }
0x91: {  	_ =	swait.ge [sflag:s24], $0x2000  }
0x92: {  	[sflag:s24] =	ssyncset.done $0x0  }
0x93: {  	[sflag:s24] =	ssyncadd.s32 $0xFFFFE000  }
0x94: {  	_ =	swait.ge [sflag:s24], $0x2000  }
0x95: {  	[sflag:s24] =	ssyncset.done $0x0  }
0x96: {  	[sflag:s24] =	ssyncadd.s32 $0xFFFFE000  }
0x97: {  	_ =	swait.ge [sflag:s24], $0x2000  }
0x98: {  	[sflag:s24] =	ssyncset.done $0x0  }
0x99: {  	[sflag:s24] =	ssyncadd.s32 $0xFFFFE000  }
0x9a: {  	_ =	swait.ge [sflag:s24], $0x2000  }
0x9b: {  	[sflag:s24] =	ssyncset.done $0x0  }
0x9c: {  	[sflag:s24] =	ssyncadd.s32 $0xFFFFE000  }
0x9d: {  	_ =	swait.ge [sflag:s24], $0x2000  }
0x9e: {  	[sflag:s24] =	ssyncset.done $0x0  }
0x9f: {  	[sflag:s24] =	ssyncadd.s32 $0xFFFFE000  }
0xa0: {  	s25 =	sadd.s32 $0x1, s25;
	_ =	swait.ge [sflag:s24], $0x2000  }
0xa1: {  	p1 =	sne.s32 s25, s4;
	[sflag:s24] =	ssyncset.done $0x0  }
.Ltmp1:
0xa2: {  	[sflag:s24] =	ssyncadd.s32 $0xFFFFE000;
	(pc) =	sbr.rel @p1 .LBB2_1-.Ltmp1, $4  }
0xa3: {  	[hbm4b:s26+s2] =	stream.linear.scatter [tilespmem:s10], [sflag:$0x2], $0x10000, $0x38;
	[tilespmem:$0x113A0] =	vst v63  }
0xa4: {  	_ =	swait.ge [sflag:s8], $0x10000  }
0xa5: {  	[sflag:s8] =	ssyncset.done $0x0  }
0xa6: {  	[sflag:s8] =	ssyncadd.s32 $0xFFFF0000  }
0xa7: {  	_ =	sfence.sel $0x180000  }
0xa8: {  	[bflag:$0x0] =	sbarrier.arrive $0xFFFF  }
0xa9: {  	_ =	strace $0x90000047  }
0xaa: {  	s0 =	sadd.s32 @!p0 $0x100000, s0;
	[bflag:$0x2] =	sbarrier.arrive $0xFFFF  }
0xab: {  	[sflag:s0] =	ssyncadd.tile.s32 @!p0 $0x1;
	_ =	shalt  }
.Lfunc_end2:
_tile_overlayer_lowered:
.L_overlay_start_2:
0xac: {  	(tag) =	ssettag $0x2  }
0xad: {  	s0 =	rddreg [dreg:$0x0];
	s2 =	stileid.u32  }
0xae: {  	s1 =	rddreg [dreg:$0x1];
	p0 =	sne.s32 s2, $0x0  }
0xaf: {  	s3 =	rddreg [dreg:$0x2];
	[bflag:$0x3] =	sbarrier.arrive $0xFFFF;
	s2 =	simm.s32 @!p0 $0x1C02  }
0xb0: {  	[timem:s3], [sflag:s2] =	dma.local @!p0 [hbm:s0], s1  }
0xb1: {  	s0 =	simm.s32 @!p0 $0x2  }
0xb2: {  	_ =	swait.ge @!p0 [sflag:s0], s1  }
0xb3: {  	s1 =	ssub.s32 @!p0 $0x0, s1;
	[sflag:s0] =	ssyncset.done @!p0 $0x0  }
0xb4: {  	[sflag:s0] =	ssyncadd.s32 @!p0 s1  }
0xb5: {  	[bflag:$0x3] =	sbarrier.arrive $0xFFFF  }
0xb6: {  	_ =	shalt  }

</sc_bundles>
